<compile_context>
chip_gen: v7x
topology: tpu7x:2x2x1
jax: 0.10.2.dev20260603
libtpu: 0.0.44.dev20260713+nightly
codegen_flags: <defaults>
</compile_context>

<pallas_src>
import functools

import jax
import jax.numpy as jnp
from jax import lax
from jax.experimental import pallas as pl
from jax.experimental.pallas import tpu as pltpu
from jax.experimental.pallas import tpu_sc as plsc

_MAX_SEQ = 4096
_TOTAL = 32768
_BATCH = 16

_NC = 2
_NS = 16
_NW = _NC * _NS
_CHUNK = (_BATCH * _MAX_SEQ) // _NW
_BUF = _CHUNK + 16
_L = 16


def _pad_body(flat_hbm, cu_hbm, out_hbm, cu_v, buf_v, val_v):
    wid = lax.axis_index("s") * _NC + lax.axis_index("c")
    row = wid // 2
    half = wid % 2
    col0 = half * _CHUNK

    pltpu.sync_copy(cu_hbm.at[pl.ds(0, _L)], cu_v.at[pl.ds(0, _L)])
    cu_pair = cu_v[pl.ds(row, _L)]
    s = cu_pair[0]
    e = jnp.where(row == _BATCH - 1, _TOTAL, cu_pair[1])
    length = jnp.minimum(e - s, _MAX_SEQ)

    start = s + col0
    start_al = jnp.minimum((start // 8) * 8, _TOTAL - _BUF)
    start_al = pl.multiple_of(start_al, 8)
    off = start - start_al

    pltpu.sync_copy(flat_hbm.at[pl.ds(start_al, _BUF)], buf_v)

    lane = lax.iota(jnp.int32, _L)
    idx0 = off + lane
    rel0 = lane + (col0 - length)

    @plsc.parallel_loop(0, _CHUNK, _L, unroll=8)
    def _chunk(base):
        valid = (rel0 + base) < 0
        vals = plsc.load_gather(buf_v, [idx0 + base], mask=valid)
        val_v[pl.ds(base, _L)] = jnp.where(valid, vals, 0.0)

    pltpu.sync_copy(val_v, out_hbm.at[row, pl.ds(col0, _CHUNK)])


_pad_sc = functools.partial(
    pl.kernel,
    out_type=jax.ShapeDtypeStruct((_BATCH, _MAX_SEQ), jnp.float32),
    mesh=plsc.VectorSubcoreMesh(core_axis_name="c", subcore_axis_name="s"),
    compiler_params=pltpu.CompilerParams(needs_layout_passes=False),
    scratch_types=[
        pltpu.VMEM((32,), jnp.int32),
        pltpu.VMEM((_BUF,), jnp.float32),
        pltpu.VMEM((_CHUNK,), jnp.float32),
    ],
)(_pad_body)


def _mask_body(lens_ref, mask_ref):
    pos = lax.broadcasted_iota(jnp.int32, (_BATCH, _MAX_SEQ), 1)
    mask_ref[...] = (pos < lens_ref[...]).astype(jnp.int32)


_mask_tc = pl.pallas_call(
    _mask_body,
    out_shape=jax.ShapeDtypeStruct((_BATCH, _MAX_SEQ), jnp.int32),
    in_specs=[pl.BlockSpec(memory_space=pltpu.VMEM)],
    out_specs=pl.BlockSpec(memory_space=pltpu.VMEM),
)


def kernel(flat, cu_seqlens):
    lens = jnp.minimum(
        cu_seqlens[1:] - cu_seqlens[:-1], _MAX_SEQ
    ).astype(jnp.int32)[:, None]
    padded = _pad_sc(flat, cu_seqlens)
    mask = _mask_tc(lens)
    return padded, mask

# --- scband reference (transcript-rebuilt; emitter-appended) ---
"""Pipeline reference for scband-pad-73289321939132 (READ-ONLY COPY).

The authoritative reference and input builder live on the scoring server;
editing this copy changes nothing except your own understanding.
"""

import jax, jax.numpy as jnp
import numpy as np

MAX_SEQ = 4096
PAD_IDX = 0.0
TOTAL_TOKENS = 32768
BATCH = 16


def setup_inputs(seed: int = 0) -> dict:
    key = jax.random.key(seed)
    k1, k2 = jax.random.split(key)
    flat = jax.random.normal(k1, (TOTAL_TOKENS,), dtype=jnp.float32)
    cu = jnp.sort(jax.random.randint(k2, (BATCH + 1,), 0, TOTAL_TOKENS, dtype=jnp.int32))
    # ensure a valid ragged partition: starts at 0, ends at TOTAL_TOKENS
    cu = cu.at[0].set(0).at[-1].set(TOTAL_TOKENS)
    return {"flat": flat, "cu_seqlens": cu}


def reference(flat, cu_seqlens):
    # Faithful jax translation of tf_text.pad_model_inputs on a ragged tensor
    # represented as (flat values, cu_seqlens row splits).
    # Returns (padded_values[B, MAX_SEQ], mask[B, MAX_SEQ]) where rows are
    # truncated/padded to MAX_SEQ with PAD_IDX, mask is 1 for real tokens.
    starts = cu_seqlens[:-1]
    lengths = cu_seqlens[1:] - starts
    lengths = jnp.minimum(lengths, MAX_SEQ)  # truncate long rows
    pos = jnp.arange(MAX_SEQ, dtype=jnp.int32)
    idx = starts[:, None] + pos[None, :]
    valid = pos[None, :] < lengths[:, None]
    idx_clipped = jnp.clip(idx, 0, flat.shape[0] - 1)
    gathered = jnp.take(flat, idx_clipped, axis=0)
    padded = jnp.where(valid, gathered, jnp.asarray(PAD_IDX, flat.dtype))
    mask = valid.astype(jnp.int32)
    return padded, mask

if __name__ == "__main__":
    import jax
    _d = setup_inputs()
    print(jax.jit(kernel)(*tuple(_d.values())))

</pallas_src>

<mosaic_0001>
#map = affine_map<(d0, d1) -> (0)>
#map1 = affine_map<(d0, d1) -> (0, 0)>
module attributes {stable_mosaic.version = 14 : i64} {
  func.func @_pad_body(%arg0: i32, %arg1: i32, %arg2: memref<32768xf32, #tpu.memory_space<hbm>>, %arg3: memref<17xi32, #tpu.memory_space<hbm>>, %arg4: memref<16x4096xf32, #tpu.memory_space<hbm>>, %arg5: memref<32xi32, #tpu.memory_space<vmem>>, %arg6: memref<2064xf32, #tpu.memory_space<vmem>>, %arg7: memref<2048xf32, #tpu.memory_space<vmem>>) attributes {dimension_semantics = [#tpu.dimension_semantics<core_parallel>, #tpu.dimension_semantics<subcore_parallel>], iteration_bounds = array<i64: 2, 16>, scalar_prefetch = 0 : i64, scratch_operands = 3 : i64, tpu.core_type = #tpu.core_type<sc_vector_subcore>, window_params = [{transform_indices = #map}, {transform_indices = #map}, {transform_indices = #map1}]} {
    %mul3A = arith.constant 2 : i32
    %mul3A_0 = arith.muli %arg1, %mul3A : i32
    %add3A = arith.addi %mul3A_0, %arg0 : i32
    %jit3A = arith.constant 2 : i32
    %div3A = arith.divsi %add3A, %jit3A : i32
    %sign3A = arith.constant 0 : i32
    %sign3A_1 = arith.cmpi sgt, %add3A, %sign3A : i32
    %sign3A_2 = arith.extui %sign3A_1 : i1 to i32
    %sign3A_3 = arith.constant 0 : i32
    %sign3A_4 = arith.cmpi slt, %add3A, %sign3A_3 : i32
    %sign3A_5 = arith.extui %sign3A_4 : i1 to i32
    %sign3A_6 = arith.subi %sign3A_2, %sign3A_5 : i32
    %sign3A_7 = arith.constant 0 : i32
    %sign3A_8 = arith.cmpi sgt, %jit3A, %sign3A_7 : i32
    %sign3A_9 = arith.extui %sign3A_8 : i1 to i32
    %sign3A_10 = arith.constant 0 : i32
    %sign3A_11 = arith.cmpi slt, %jit3A, %sign3A_10 : i32
    %sign3A_12 = arith.extui %sign3A_11 : i1 to i32
    %sign3A_13 = arith.subi %sign3A_9, %sign3A_12 : i32
    %ne3A = arith.cmpi ne, %sign3A_6, %sign3A_13 : i32
    %rem3A = arith.remsi %add3A, %jit3A : i32
    %ne3A_14 = arith.constant 0 : i32
    %ne3A_15 = arith.cmpi ne, %rem3A, %ne3A_14 : i32
    %and3A = arith.andi %ne3A, %ne3A_15 : i1
    %sub3A = arith.constant 1 : i32
    %sub3A_16 = arith.subi %div3A, %sub3A : i32
    %select_n3A = arith.select %and3A, %sub3A_16, %div3A : i32
    %jit3A_17 = arith.constant 2 : i32
    %eq3A = arith.constant 0 : i32
    %eq3A_18 = arith.cmpi eq, %jit3A_17, %eq3A : i32
    %jit3A_19 = arith.constant 1 : i32
    %select_n3A_20 = arith.select %eq3A_18, %jit3A_19, %jit3A_17 : i32
    %rem3A_21 = arith.remsi %add3A, %select_n3A_20 : i32
    %ne3A_22 = arith.constant 0 : i32
    %ne3A_23 = arith.cmpi ne, %rem3A_21, %ne3A_22 : i32
    %lt3A = arith.constant 0 : i32
    %lt3A_24 = arith.cmpi slt, %rem3A_21, %lt3A : i32
    %lt3A_25 = arith.constant 0 : i32
    %lt3A_26 = arith.cmpi slt, %select_n3A_20, %lt3A_25 : i32
    %ne3A_27 = arith.xori %lt3A_24, %lt3A_26 : i1
    %and3A_28 = arith.andi %ne3A_27, %ne3A_23 : i1
    %add3A_29 = arith.addi %rem3A_21, %select_n3A_20 : i32
    %select_n3A_30 = arith.select %and3A_28, %add3A_29, %rem3A_21 : i32
    %mul3A_31 = arith.constant 2048 : i32
    %mul3A_32 = arith.muli %select_n3A_30, %mul3A_31 : i32
    "tpu.region"() ({
      %run_scoped3A = tpu.sem_alloc : memref<!tpu.dma_semaphore, #tpu.memory_space<semaphore_mem>>
      %dma_start3A = arith.constant 0 : i32
      %dma_start3A_79 = tpu.memref_slice %arg5[%dma_start3A] : memref<32xi32, #tpu.memory_space<vmem>> -> memref<16xi32, #tpu.memory_space<vmem>>
      %dma_start3A_80 = arith.constant 0 : i32
      %dma_start3A_81 = tpu.memref_slice %arg3[%dma_start3A_80] : memref<17xi32, #tpu.memory_space<hbm>> -> memref<16xi32, #tpu.memory_space<hbm>>
      %dma_start3A_82 = arith.constant 0 : i32
      %dma_start3A_83 = tpu.memref_slice %arg5[%dma_start3A_82] : memref<32xi32, #tpu.memory_space<vmem>> -> memref<16xi32, #tpu.memory_space<vmem>>
      %dma_start3A_84 = arith.constant 0 : i32
      %dma_start3A_85 = tpu.memref_slice %arg3[%dma_start3A_84] : memref<17xi32, #tpu.memory_space<hbm>> -> memref<16xi32, #tpu.memory_space<hbm>>
      tpu.enqueue_dma source(%dma_start3A_85 : memref<16xi32, #tpu.memory_space<hbm>>) target(%dma_start3A_83 : memref<16xi32, #tpu.memory_space<vmem>>) target_semaphore(%run_scoped3A : memref<!tpu.dma_semaphore, #tpu.memory_space<semaphore_mem>>)
      %dma_wait3A = arith.constant 0 : i32
      %dma_wait3A_86 = tpu.memref_slice %arg5[%dma_wait3A] : memref<32xi32, #tpu.memory_space<vmem>> -> memref<16xi32, #tpu.memory_space<vmem>>
      %dma_wait3A_87 = arith.constant 0 : i32
      %dma_wait3A_88 = tpu.memref_slice %arg3[%dma_wait3A_87] : memref<17xi32, #tpu.memory_space<hbm>> -> memref<16xi32, #tpu.memory_space<hbm>>
      %dma_wait3A_89 = arith.constant 0 : i32
      %dma_wait3A_90 = tpu.memref_slice %arg5[%dma_wait3A_89] : memref<32xi32, #tpu.memory_space<vmem>> -> memref<16xi32, #tpu.memory_space<vmem>>
      %dma_wait3A_91 = arith.constant 0 : i32
      %dma_wait3A_92 = tpu.memref_slice %arg3[%dma_wait3A_91] : memref<17xi32, #tpu.memory_space<hbm>> -> memref<16xi32, #tpu.memory_space<hbm>>
      tpu.wait_dma2 semaphore(%run_scoped3A : memref<!tpu.dma_semaphore, #tpu.memory_space<semaphore_mem>>) src(%dma_wait3A_92 : memref<16xi32, #tpu.memory_space<hbm>>) dst(%dma_wait3A_90 : memref<16xi32, #tpu.memory_space<vmem>>)
      tpu.yield
    }) : () -> ()
    %get3A = arith.index_cast %select_n3A : i32 to index
    %get3A_33 = tpu.vector_load %arg5[%get3A] {strides = array<i32>} : memref<32xi32, #tpu.memory_space<vmem>>, vector<16xi32>,
    %slice3A = vector.extract_strided_slice %get3A_33 {offsets = [0], sizes = [1], strides = [1]} : vector<16xi32> to vector<1xi32>
    %squeeze3A = vector.extract %slice3A[0] : i32 from vector<1xi32>
    %eq3A_34 = arith.constant 15 : i32
    %eq3A_35 = arith.cmpi eq, %select_n3A, %eq3A_34 : i32
    %slice3A_36 = vector.extract_strided_slice %get3A_33 {offsets = [1], sizes = [1], strides = [1]} : vector<16xi32> to vector<1xi32>
    %squeeze3A_37 = vector.extract %slice3A_36[0] : i32 from vector<1xi32>
    %jit3A_38 = arith.constant 32768 : i32
    %select_n3A_39 = arith.select %eq3A_35, %jit3A_38, %squeeze3A_37 : i32
    %sub3A_40 = arith.subi %select_n3A_39, %squeeze3A : i32
    %min3A = arith.constant 4096 : i32
    %min3A_41 = arith.minsi %sub3A_40, %min3A : i32
    %add3A_42 = arith.addi %squeeze3A, %mul3A_32 : i32
    %jit3A_43 = arith.constant 8 : i32
    %div3A_44 = arith.divsi %add3A_42, %jit3A_43 : i32
    %sign3A_45 = arith.constant 0 : i32
    %sign3A_46 = arith.cmpi sgt, %add3A_42, %sign3A_45 : i32
    %sign3A_47 = arith.extui %sign3A_46 : i1 to i32
    %sign3A_48 = arith.constant 0 : i32
    %sign3A_49 = arith.cmpi slt, %add3A_42, %sign3A_48 : i32
    %sign3A_50 = arith.extui %sign3A_49 : i1 to i32
    %sign3A_51 = arith.subi %sign3A_47, %sign3A_50 : i32
    %sign3A_52 = arith.constant 0 : i32
    %sign3A_53 = arith.cmpi sgt, %jit3A_43, %sign3A_52 : i32
    %sign3A_54 = arith.extui %sign3A_53 : i1 to i32
    %sign3A_55 = arith.constant 0 : i32
    %sign3A_56 = arith.cmpi slt, %jit3A_43, %sign3A_55 : i32
    %sign3A_57 = arith.extui %sign3A_56 : i1 to i32
    %sign3A_58 = arith.subi %sign3A_54, %sign3A_57 : i32
    %ne3A_59 = arith.cmpi ne, %sign3A_51, %sign3A_58 : i32
    %rem3A_60 = arith.remsi %add3A_42, %jit3A_43 : i32
    %ne3A_61 = arith.constant 0 : i32
    %ne3A_62 = arith.cmpi ne, %rem3A_60, %ne3A_61 : i32
    %and3A_63 = arith.andi %ne3A_59, %ne3A_62 : i1
    %sub3A_64 = arith.constant 1 : i32
    %sub3A_65 = arith.subi %div3A_44, %sub3A_64 : i32
    %select_n3A_66 = arith.select %and3A_63, %sub3A_65, %div3A_44 : i32
    %mul3A_67 = arith.constant 8 : i32
    %mul3A_68 = arith.muli %select_n3A_66, %mul3A_67 : i32
    %min3A_69 = arith.constant 30704 : i32
    %min3A_70 = arith.minsi %mul3A_68, %min3A_69 : i32
    %multiple_of3A = tpu.assume_multiple %min3A_70, 8 : i32
    %sub3A_71 = arith.subi %add3A_42, %multiple_of3A : i32
    "tpu.region"() ({
      %run_scoped3A = tpu.sem_alloc : memref<!tpu.dma_semaphore, #tpu.memory_space<semaphore_mem>>
      %dma_start3A = tpu.memref_slice %arg2[%multiple_of3A] : memref<32768xf32, #tpu.memory_space<hbm>> -> memref<2064xf32, #tpu.memory_space<hbm>>
      %dma_start3A_79 = tpu.memref_slice %arg2[%multiple_of3A] : memref<32768xf32, #tpu.memory_space<hbm>> -> memref<2064xf32, #tpu.memory_space<hbm>>
      tpu.enqueue_dma source(%dma_start3A_79 : memref<2064xf32, #tpu.memory_space<hbm>>) target(%arg6 : memref<2064xf32, #tpu.memory_space<vmem>>) target_semaphore(%run_scoped3A : memref<!tpu.dma_semaphore, #tpu.memory_space<semaphore_mem>>)
      %dma_wait3A = tpu.memref_slice %arg2[%multiple_of3A] : memref<32768xf32, #tpu.memory_space<hbm>> -> memref<2064xf32, #tpu.memory_space<hbm>>
      %dma_wait3A_80 = tpu.memref_slice %arg2[%multiple_of3A] : memref<32768xf32, #tpu.memory_space<hbm>> -> memref<2064xf32, #tpu.memory_space<hbm>>
      tpu.wait_dma2 semaphore(%run_scoped3A : memref<!tpu.dma_semaphore, #tpu.memory_space<semaphore_mem>>) src(%dma_wait3A_80 : memref<2064xf32, #tpu.memory_space<hbm>>) dst(%arg6 : memref<2064xf32, #tpu.memory_space<vmem>>)
      tpu.yield
    }) : () -> ()
    %iota3A = tpu.iota {dimensions = array<i32: 0>} : vector<16xi32>
    %add3A_72 = vector.broadcast %sub3A_71 : i32 to vector<16xi32>
    %add3A_73 = arith.addi %add3A_72, %iota3A : vector<16xi32>
    %sub3A_74 = arith.subi %mul3A_32, %min3A_41 : i32
    %add3A_75 = vector.broadcast %sub3A_74 : i32 to vector<16xi32>
    %add3A_76 = arith.addi %iota3A, %add3A_75 : vector<16xi32>
    %parallel_loop3A = arith.constant 0 : i32
    %parallel_loop3A_77 = arith.constant 2048 : i32
    %parallel_loop3A_78 = arith.constant 16 : i32
    scf.for %parallel_loop3A_79 = %parallel_loop3A to %parallel_loop3A_77 step %parallel_loop3A_78  : i32 {
      %parallel_loop3A_80 = vector.broadcast %parallel_loop3A_79 : i32 to vector<16xi32>
      %parallel_loop3A_81 = arith.addi %add3A_76, %parallel_loop3A_80 : vector<16xi32>
      %parallel_loop3A_82 = arith.constant 0 : i32
      %parallel_loop3A_83 = vector.broadcast %parallel_loop3A_82 : i32 to vector<16xi32>
      %parallel_loop3A_84 = arith.cmpi slt, %parallel_loop3A_81, %parallel_loop3A_83 : vector<16xi32>
      %parallel_loop3A_85 = vector.broadcast %parallel_loop3A_79 : i32 to vector<16xi32>
      %parallel_loop3A_86 = arith.addi %add3A_73, %parallel_loop3A_85 : vector<16xi32>
      %parallel_loop3A_87 = tpu.vector_load_idx %arg6[%parallel_loop3A_86] masked %parallel_loop3A_84 : memref<2064xf32, #tpu.memory_space<vmem>>[vector<16xi32>], vector<16xf32>, vector<16xi1>
      %parallel_loop3A_88 = arith.constant 0.000000e+00 : f32
      %parallel_loop3A_89 = vector.broadcast %parallel_loop3A_88 : f32 to vector<16xf32>
      %parallel_loop3A_90 = arith.select %parallel_loop3A_84, %parallel_loop3A_87, %parallel_loop3A_89 : vector<16xi1>, vector<16xf32>
      %parallel_loop3A_91 = arith.index_cast %parallel_loop3A_79 : i32 to index
      %parallel_loop3A_92 = tpu.vector_load %arg7[%parallel_loop3A_91] {strides = array<i32>} : memref<2048xf32, #tpu.memory_space<vmem>>, vector<16xf32>,
      tpu.vector_store %arg7[%parallel_loop3A_91], %parallel_loop3A_90 {strides = array<i32>} : memref<2048xf32, #tpu.memory_space<vmem>>, vector<16xf32>,
    } {sc.loop_unroll_factor = 8 : i64, sc.parallel_access}
    "tpu.region"() ({
      %run_scoped3A = tpu.sem_alloc : memref<!tpu.dma_semaphore, #tpu.memory_space<semaphore_mem>>
      %dma_start3A = tpu.memref_slice %arg4[%select_n3A, %mul3A_32] : memref<16x4096xf32, #tpu.memory_space<hbm>> -> memref<1x2048xf32, #tpu.memory_space<hbm>>
      %dma_start3A_79 = tpu.memref_squeeze %dma_start3A : memref<1x2048xf32, #tpu.memory_space<hbm>> -> memref<2048xf32, #tpu.memory_space<hbm>>
      %dma_start3A_80 = tpu.memref_slice %arg4[%select_n3A, %mul3A_32] : memref<16x4096xf32, #tpu.memory_space<hbm>> -> memref<1x2048xf32, #tpu.memory_space<hbm>>
      %dma_start3A_81 = tpu.memref_squeeze %dma_start3A_80 : memref<1x2048xf32, #tpu.memory_space<hbm>> -> memref<2048xf32, #tpu.memory_space<hbm>>
      tpu.enqueue_dma source(%arg7 : memref<2048xf32, #tpu.memory_space<vmem>>) target(%dma_start3A_81 : memref<2048xf32, #tpu.memory_space<hbm>>) target_semaphore(%run_scoped3A : memref<!tpu.dma_semaphore, #tpu.memory_space<semaphore_mem>>)
      %dma_wait3A = tpu.memref_slice %arg4[%select_n3A, %mul3A_32] : memref<16x4096xf32, #tpu.memory_space<hbm>> -> memref<1x2048xf32, #tpu.memory_space<hbm>>
      %dma_wait3A_82 = tpu.memref_squeeze %dma_wait3A : memref<1x2048xf32, #tpu.memory_space<hbm>> -> memref<2048xf32, #tpu.memory_space<hbm>>
      %dma_wait3A_83 = tpu.memref_slice %arg4[%select_n3A, %mul3A_32] : memref<16x4096xf32, #tpu.memory_space<hbm>> -> memref<1x2048xf32, #tpu.memory_space<hbm>>
      %dma_wait3A_84 = tpu.memref_squeeze %dma_wait3A_83 : memref<1x2048xf32, #tpu.memory_space<hbm>> -> memref<2048xf32, #tpu.memory_space<hbm>>
      tpu.wait_dma2 semaphore(%run_scoped3A : memref<!tpu.dma_semaphore, #tpu.memory_space<semaphore_mem>>) src(%arg7 : memref<2048xf32, #tpu.memory_space<vmem>>) dst(%dma_wait3A_84 : memref<2048xf32, #tpu.memory_space<hbm>>)
      tpu.yield
    }) : () -> ()
    return
  }
}

module attributes {stable_mosaic.version = 14 : i64} {
  func.func @_mask_body(%arg0: memref<16x1xi32, #tpu.memory_space<vmem>>, %arg1: memref<16x4096xi32, #tpu.memory_space<vmem>>) attributes {dimension_semantics = [], scalar_prefetch = 0 : i64, scratch_operands = 0 : i64, tpu.core_type = #tpu.core_type<tc>} {
    %iota3A = tpu.iota {dimensions = array<i32: 1>} : vector<16x4096xi32>
    %get3A = arith.constant 0 : index
    %get3A_0 = arith.constant 0 : index
    %get3A_1 = vector.load %arg0[%get3A, %get3A_0] : memref<16x1xi32, #tpu.memory_space<vmem>>, vector<16x1xi32>
    %lt3A = vector.broadcast %get3A_1 : vector<16x1xi32> to vector<16x4096xi32>
    %lt3A_2 = arith.cmpi slt, %iota3A, %lt3A : vector<16x4096xi32>
    %convert_element_type3A = arith.extui %lt3A_2 : vector<16x4096xi1> to vector<16x4096xi32>
    %swap3A = arith.constant 0 : index
    %swap3A_3 = arith.constant 0 : index
    %swap3A_4 = vector.load %arg1[%swap3A, %swap3A_3] : memref<16x4096xi32, #tpu.memory_space<vmem>>, vector<16x4096xi32>
    tpu.vector_store %arg1[%swap3A, %swap3A_3], %convert_element_type3A {strides = array<i32>} : memref<16x4096xi32, #tpu.memory_space<vmem>>, vector<16x4096xi32>,
    return
  }
}

</mosaic_0001>

<sc_bundles>
// kernel: kernel.4.cloned.1.call-start
scs
__scs_entry_jumppad:
0x0: {  	(pc) =	sbr.rel $0x88, $3  }
0x1: {  	(tag) =	ssettag $0x0;
	lr =	simm.s32 $0x1  }
0x2: {  	[smem:$0x3F9F] =	sst lr;
	_ =	strace $0xD0000000  }
0x3: {  	_ = 	snop  }
0x4: {  	_ = 	snop  }
0x5: {  	_ = 	snop  }
0x6: {  	_ = 	snop  }
0x7: {  	_ = 	snop  }
__scs_overlays_trampoline_lowered:
0x8: {  	[smem:$0x3FAE] =	sst s0  }
0x9: {  	[smem:$0x3FAF] =	sst s1  }
0xa: {  	[smem:$0x3FB0] =	sst s2  }
0xb: {  	[smem:$0x3FB1] =	sst s3  }
0xc: {  	[smem:$0x3FB2] =	sst s4  }
0xd: {  	[smem:$0x3FB3] =	sst s5  }
0xe: {  	[smem:$0x3FB4] =	sst s6  }
0xf: {  	[smem:$0x3FB5] =	sst s7  }
0x10: {  	[smem:$0x3FB6] =	sst s8  }
0x11: {  	[smem:$0x3FB7] =	sst s9;
	s0 =	simm.s32 @!p0 $0x0  }
0x12: {  	s1 =	sld [smem:$0x3F9D];
	s0 =	simm.s32 @p0 $0x1  }
0x13: {  	[smem:$0x3FB8] =	sst s0;
	s0 =	simm.s32 @!p1 $0x0  }
0x14: {  	s2 =	sld [smem:$0x3F9C];
	s0 =	simm.s32 @p1 $0x1  }
0x15: {  	[smem:$0x3FB9] =	sst s0;
	s0 =	simm.s32 @!p2 $0x0  }
0x16: {  	s3 =	sld [smem:$0x3FDB];
	s0 =	simm.s32 @p2 $0x1  }
0x17: {  	s4 =	simm.s32 $0x1BF5;
	[smem:$0x3FBB] =	sst s0  }
0x18: {  	s0 =	sld [smem:$0x3F9E];
	_ =	swait.ge [sflag:s4], $0x0  }
0x19: {  	s7 =	sld [smem:$0x3F9F]  }
0x1a: {  	s8 =	sadd.s32 $0xFFFFE003, lr  }
0x1b: {  	s9 =	sadd.s32 $0xFFFFFEF7, lr;
	s5 =	simm.s32 $0xFFFFFFFF;
	p2 =	slt.u32 s8, $0xFFFFF086  }
0x1c: {  	p1 =	slt.u32 s9, $0xF7A;
	s5 =	simm.s32 @!p2 $0x0  }
0x1d: {  	s5 =	simm.s32 @p1 $0x1;
	p0 =	seq.s32 s7, s2  }
0x1e: {  	s7 =	smul.u32 @!p0 $0xF7A, s2;
	p2 =	seq.s32 @!p0 s5, $0x0  }
0x1f: {  	s9 =	smul.u32 $0xF7A, s1;
	s8 =	simm.s32 @!p0 $0x1BF5;
	p2 =	por !p2, p0  }
0x20: {  	[sflag:s8] =	ssyncset.s32 @!p0 $0xFFFFF086;
	s6 =	sadd.s32 @!p0 s3, s7;
	s7 =	simm.s32 @!p0 $0x108  }
0x21: {  	s3 =	sadd.s32 s3, s9;
	s6 =	sadd.s32 @!p0 $0x88, s6;
	s7 =	simm.s32 @p2 $0x1082  }
0x22: {  	[simem:s7], [sflag:s8] =	dma.local @!p0 [hbm:s6], $0xF7A  }
0x23: {  	s9 =	sor.u32 $0xD0000000, s2;
	s6 =	simm.s32 $0x108;
	_ =	swait.ge @!p0 [sflag:s8], $0x0  }
0x24: {  	s3 =	sadd.s32 $0x88, s3;
	s6 =	simm.s32 @!p1 $0x1082;
	[sflag:s4] =	ssyncset.s32 $0xFFFFF086  }
0x25: {  	[simem:s6], [sflag:s4] =	dma.local [hbm:s3], $0xF7A  }
0x26: {  	[smem:$0x3F9F] =	sst s1;
	(tag) =	ssettag s2;
	_ =	strace s9  }
0x27: {  	s1 =	sld [smem:$0x3FAF]  }
0x28: {  	s2 =	sld [smem:$0x3FB0]  }
0x29: {  	s4 =	sld [smem:$0x3FB2]  }
0x2a: {  	p0 =	seq.s32 s5, $0x0;
	s5 =	sld [smem:$0x3FB3]  }
0x2b: {  	s6 =	sld [smem:$0x3FB4]  }
0x2c: {  	s7 =	sld [smem:$0x3FB5]  }
0x2d: {  	s3 =	simm.s32 $0x108;
	s8 =	sld [smem:$0x3FB6]  }
0x2e: {  	s3 =	simm.s32 @!p0 $0x1082;
	s9 =	sld [smem:$0x3FB7]  }
0x2f: {  	lr =	sadd.s32 s0, s3;
	s0 =	sld [smem:$0x3FAE]  }
0x30: {  	s3 =	sld [smem:$0x3FB1]  }
0x31: {  	[smem:$0x3FBA] =	sst s10  }
0x32: {  	s10 =	sld [smem:$0x3FB8];
	_ =	sdelay $0x3  }
0x33: {  	p0 =	seq.s32 s10, $0x1;
	s10 =	sld [smem:$0x3FBA];
	_ =	sdelay $0x3  }
0x34: {  	[smem:$0x3FBA] =	sst s10  }
0x35: {  	s10 =	sld [smem:$0x3FB9];
	_ =	sdelay $0x3  }
0x36: {  	p1 =	seq.s32 s10, $0x1;
	s10 =	sld [smem:$0x3FBA];
	_ =	sdelay $0x3  }
0x37: {  	[smem:$0x3FBA] =	sst s10  }
0x38: {  	s10 =	sld [smem:$0x3FBB]  }
0x39: {  	_ = 	snop;
	(pc) =	sbr.ind lr, $3  }
0x3a: {  	_ = 	snop  }
0x3b: {  	_ = 	snop  }
0x3c: {  	p2 =	seq.s32 s10, $0x1;
	s10 =	sld [smem:$0x3FBA]  }
0x3d: {  	_ =	shalt  }
0x3e: {  	_ =	shalt  }
0x3f: {  	_ =	shalt  }
0x40: {  	_ =	shalt  }
0x41: {  	_ =	shalt  }
0x42: {  	_ =	shalt  }
0x43: {  	_ =	shalt  }
0x44: {  	_ =	shalt  }
0x45: {  	_ =	shalt  }
0x46: {  	_ =	shalt  }
0x47: {  	_ =	shalt  }
0x48: {  	_ =	shalt  }
0x49: {  	_ =	shalt  }
0x4a: {  	_ =	shalt  }
0x4b: {  	_ =	shalt  }
0x4c: {  	_ =	shalt  }
0x4d: {  	_ =	shalt  }
0x4e: {  	_ =	shalt  }
0x4f: {  	_ =	shalt  }
0x50: {  	_ =	shalt  }
0x51: {  	_ =	shalt  }
0x52: {  	_ =	shalt  }
0x53: {  	_ =	shalt  }
0x54: {  	_ =	shalt  }
0x55: {  	_ =	shalt  }
0x56: {  	_ =	shalt  }
0x57: {  	_ =	shalt  }
0x58: {  	_ =	shalt  }
0x59: {  	_ =	shalt  }
0x5a: {  	_ =	shalt  }
0x5b: {  	_ =	shalt  }
0x5c: {  	_ =	shalt  }
0x5d: {  	_ =	shalt  }
0x5e: {  	_ =	shalt  }
0x5f: {  	_ =	shalt  }
0x60: {  	_ =	shalt  }
0x61: {  	_ =	shalt  }
0x62: {  	_ =	shalt  }
0x63: {  	_ =	shalt  }
0x64: {  	_ =	shalt  }
0x65: {  	_ =	shalt  }
0x66: {  	_ =	shalt  }
0x67: {  	_ =	shalt  }
0x68: {  	_ =	shalt  }
0x69: {  	_ =	shalt  }
0x6a: {  	_ =	shalt  }
0x6b: {  	_ =	shalt  }
0x6c: {  	_ =	shalt  }
0x6d: {  	_ =	shalt  }
0x6e: {  	_ =	shalt  }
0x6f: {  	_ =	shalt  }
0x70: {  	_ =	shalt  }
0x71: {  	_ =	shalt  }
0x72: {  	_ =	shalt  }
0x73: {  	_ =	shalt  }
0x74: {  	_ =	shalt  }
0x75: {  	_ =	shalt  }
0x76: {  	_ =	shalt  }
0x77: {  	_ =	shalt  }
0x78: {  	_ =	shalt  }
0x79: {  	_ =	shalt  }
0x7a: {  	_ =	shalt  }
0x7b: {  	_ =	shalt  }
0x7c: {  	_ =	shalt  }
0x7d: {  	_ =	shalt  }
0x7e: {  	_ =	shalt  }
0x7f: {  	_ =	shalt  }
0x80: {  	_ =	shalt  }
0x81: {  	_ =	shalt  }
0x82: {  	_ =	shalt  }
0x83: {  	_ =	shalt  }
0x84: {  	_ =	shalt  }
0x85: {  	_ =	shalt  }
0x86: {  	_ =	shalt  }
0x87: {  	_ =	shalt  }
.Lfunc_end0:
.L_simem_size_0:
called_computation_lowered:
.L_overlay_start_0:
0x88: {  	s2 =	sld [smem:$0x3FD9]  }
0x89: {  	s3 =	sld [smem:$0x3FFE];
	_ =	sdelay $0x1  }
0x8a: {  	s1 =	srdreg.scid  }
0x8b: {  	s0 =	sand.u32 $0x1, s1  }
0x8c: {  	s15 =	sshll.u32 s0, $0xA;
	s2 =	sadd.s32 s3, s2  }
0x8d: {  	s2 =	sadd.s32 s2, s15  }
0x8e: {  	[smem:$0x3FC6] =	sst s2  }
0x8f: {  	_ = 	snop  }
0x90: {  	s2 =	sld [smem:$0x3FD0];
	_ =	sdelay $0x1  }
0x91: {  	s16 =	sld [smem:$0x3FC9]  }
0x92: {  	s5 =	simm.s32 $0xA;
	s6 =	simm.s32 $0x10;
	s4 =	sld [smem:$0x3FC8]  }
0x93: {  	[smem:s6], [sflag:s5] =	dma.local [hbm:s2], $0x1  }
0x94: {  	_ =	swait.eq [sflag:s5], $0x1  }
0x95: {  	[sflag:s5] =	ssyncset.done $0x0  }
0x96: {  	[sflag:s5] =	ssyncadd.s32 $0xFFFFFFFF  }
0x97: {  	s17 =	sld [smem:$0x10];
	(tm) =	ssettm $0x1  }
0x98: {  	s18 =	sld [smem:$0x3FFB];
	_ =	sdelay $0x3  }
0x99: {  	_ =	strace s18  }
0x9a: {  	s5 =	sld [smem:$0x3FFC];
	_ =	sdelay $0x3  }
0x9b: {  	_ =	strace s5  }
0x9c: {  	s5 =	sld [smem:$0x3FFD];
	_ =	sdelay $0x3  }
0x9d: {  	_ =	strace s5  }
0x9e: {  	_ =	strace $0x8FFFFFFF  }
0x9f: {  	s19 =	sld [smem:$0x3FDB];
	_ =	sdelay $0x1  }
0xa0: {  	s20 =	simm.s32 $_scs_section_size  }
0xa1: {  	s7 =	simm.s32 $_size__tile_overlayer_lowered;
	s8 =	simm.s32 $_tile_overlayer_lowered  }
0xa2: {  	s23 =	simm.s32 $0x1BFF;
	s22 =	sshll.u32 s8, $0x1;
	s5 =	sadd.s32 s20, s19  }
0xa3: {  	s9 =	simm.s32 $0x0;
	s21 =	sshll.u32 s7, $0x1;
	s7 =	sadd.s32 s22, s5  }
0xa4: {  	[timem:s9], [sflag:s23] =	dma.local [hbm:s7], s21  }
0xa5: {  	_ =	swait.ge [sflag:s23], s21  }
0xa6: {  	s6 =	ssub.s32 $0x0, s21;
	[sflag:s23] =	ssyncset.done $0x0  }
0xa7: {  	[sflag:s23] =	ssyncadd.s32 s6;
	_ =	sdelay $0x1  }
0xa8: {  	s24 =	simm.s32 $0x1B8B  }
0xa9: {  	_ =	swait.ge [sflag:s24], $0x1  }
0xaa: {  	[sflag:s24] =	ssyncset.done $0x0  }
0xab: {  	s25 =	simm.s32 $0x1B8E;
	[sflag:s24] =	ssyncadd.s32 $0xFFFFFFFF  }
0xac: {  	s26 =	simm.s32 $execute0_lowered;
	[smem:$0x3FD2] =	sst s25  }
0xad: {  	s6 =	sshll.u32 s26, $0x1;
	_ =	strace $0x80000046;
	[dreg:$0x1] =	wrdreg $0xFFFFFFFF  }
0xae: {  	s28 =	simm.s32 $_size_execute0_lowered;
	s5 =	sadd.s32 s5, s6;
	[dreg:$0x0] =	wrdreg $0x0  }
0xaf: {  	s6 =	sshll.u32 s28, $0x1;
	[dreg:$0x2] =	wrdreg s5  }
0xb0: {  	[dreg:$0x3] =	wrdreg s6  }
0xb1: {  	[dreg:$0x4] =	wrdreg $0xC0  }
0xb2: {  	_ =	task [dreg:s9], $0x5FFFF  }
0xb3: {  	[dreg:$0x1] =	wrdreg $0xFFFFFFFF  }
0xb4: {  	[dreg:$0x0] =	wrdreg $0x60  }
0xb5: {  	[dreg:$0x2] =	wrdreg s16  }
0xb6: {  	[dreg:$0x3] =	wrdreg s4  }
0xb7: {  	[dreg:$0x4] =	wrdreg s17  }
0xb8: {  	[dreg:$0x5] =	wrdreg $0x9  }
0xb9: {  	_ =	task.clear_ibuf [dreg:s9], $0x6FFFF;
	_ =	strace $0x90000046  }
0xba: {  	s29 =	simm.s32 $0x9;
	_ =	strace $0x80000048  }
0xbb: {  	_ =	swait.ge [sflag:s29], $0x1  }
0xbc: {  	[sflag:s29] =	ssyncadd.s32 $0xFFFFFFFF  }
0xbd: {  	_ =	strace $0x90000048  }
0xbe: {  	_ =	sfence  }
0xbf: {  	s30 =	sld [smem:$0x0];
	_ =	sdelay $0x2  }
0xc0: {  	s31 =	sshll.u32 s1, $0xD;
	s1 =	sshrl.u32 s1, $0x2  }
0xc1: {  	s3 =	sand.u32 $0x4000, s31;
	s1 =	sadd.s32 s1, s30  }
0xc2: {  	s0 =	sor.u32 s3, s0;
	s1 =	sshll.u32 s1, $0x11  }
0xc3: {  	s0 =	sor.u32 s1, s0  }
0xc4: {  	s0 =	sadd.s32 $0x8F2B, s0  }
0xc5: {  	[sflag:s0] =	ssyncadd.remote.s32 $0x1  }
0xc6: {  	_ =	sfence.sel $0xFFFF  }
0xc7: {  	[dreg:$0x0] =	wrdreg $0xFFFFFFFF;
	(pc) =	sbr.abs _section_cstart, $3  }
0xc8: {  	[dreg:$0x1] =	wrdreg $0xFFFFFFFF  }
0xc9: {  	_ =	task.clear_ibuf [dreg:s9], $0x2FFFF;
	_ =	strace $0x9FFFFFFF  }
0xca: {  	(tm) =	ssettm $0x7FFFFFFF  }
0xcb: {  	_ =	shalt  }
tec
execute0_lowered:
.L_overlay_start_1:
0x0: {  	(tag) =	ssettag $0x1  }
0x1: {  	s1 =	srdreg.scid  }
0x2: {  	s0 =	stileid.u32;
	s7 =	sand.u32 $0x1, s1  }
0x3: {  	s2 =	simm.s32 $0x1;
	s1 =	sor.u32 s7, s0  }
0x4: {  	s3 =	rddreg [dreg:$0x1];
	p1 =	seq.s32 s7, $0x1;
	p0 =	seq.s32 s1, $0x0  }
0x5: {  	s8 =	rddreg [dreg:$0x2];
	s5 =	simm.s32 $0x0;
	p0 =	por !p0, !p1  }
0x6: {  	s12 =	simm.s32 $0x900;
	s13 =	simm.s32 $0x0;
	p0 =	por !p0, !p0  }
0x7: {  	[smem:$0x7FF] =	sst s5;
	s9 =	sshll.u32 s7, $0xE;
	s2 =	simm.s32 @!p0 $0x0  }
0x8: {  	s11 =	ssub.s32 $0x2, s7;
	s7 =	sshll.u32 s7, $0xB;
	s4 =	ssub.s32 s0, s2  }
0x9: {  	s1 =	rddreg [dreg:$0x0];
	s29 =	sshrl.u32 s11, $0x1;
	s6 =	sshll.u32 s4, $0xC  }
0xa: {  	s30 =	ssub.s32 s11, s29;
	s10 =	sshll.u32 s4, $0x7;
	s6 =	sand.u32 $0xFFFF8000, s6  }
0xb: {  	s11 =	simm.s32 $0x400;
	s28 =	sand.u32 $0x380, s10;
	s6 =	sor.u32 s9, s6  }
0xc: {  	s2 =	rddreg [dreg:$0x3];
	_ =	strace $0x80000047;
	s6 =	sor.u32 s28, s6  }
0xd: {  	p0 =	seq.s32 s4, $0xF;
	s10 =	simm.s32 $0x80;
	s31 =	sshrl.u32 s6, $0x3  }
0xe: {  	v0 =	vlaneseq.u32;
	s9 =	smax.u32 s30, $0x1;
	s6 =	simm.s32 $0x1;
	s8 =	sadd.s32 s8, s31  }
.LBB2_1:
0xf: {  	[tilespmem:s5], [sflag:$0x1] =	stream.linear.gather [hbm4b:s3+s5], $0x10, $0x38;
	[tilespmem:$0x1100] =	vst v63  }
0x10: {  	_ =	swait.ge [sflag:s6], $0x10  }
0x11: {  	[sflag:s6] =	ssyncset.done $0x0  }
0x12: {  	[sflag:s6] =	ssyncadd.s32 $0xFFFFFFF0  }
0x13: {  	v1 =	vld [tilespmem:s4+$0x0];
	_ =	sdelay $0x4  }
0x14: {  	(v2sf) =	vpush v1, $0x0;
	_ =	sdelay $0x5  }
0x15: {  	(v2sf) =	vpush v1, $0x1;
	_ =	sdelay $0x8  }
0x16: {  	s14 =	spop (v2sf)  }
0x17: {  	s15 =	sadd.s32 s7, s14;
	s16 =	sand.u32 $0x7, s14  }
0x18: {  	s17 =	sshra.s32 s15, $0x1F;
	p1 =	slt.s32 s15, $0x1;
	p2 =	sne.s32 s16, $0x0  }
0x19: {  	s29 =	sshrl.u32 s17, $0x1D;
	p1 =	por !p1, !p2  }
0x1a: {  	s17 =	simm.s32 $0x1;
	s16 =	sadd.s32 s29, s15;
	p1 =	por !p1, !p1  }
0x1b: {  	s16 =	sshrl.u32 s16, $0x3;
	s17 =	simm.s32 @!p1 $0x0  }
0x1c: {  	s16 =	ssub.s32 s16, s17;
	s17 =	spop (v2sf)  }
0x1d: {  	s16 =	sshll.u32 s16, $0x3;
	s17 =	simm.s32 @p0 $0x8000  }
0x1e: {  	p1 =	slt.s32 s16, $0x77F0;
	s14 =	ssub.s32 s17, s14  }
0x1f: {  	s16 =	simm.s32 @!p1 $0x77F0;
	p1 =	slt.s32 s14, $0x1000  }
0x20: {  	s30 =	sshrl.u32 s16, $0x3;
	s14 =	simm.s32 @!p1 $0x1000  }
0x21: {  	s31 =	simm.s32 $0x70;
	s17 =	sadd.s32 s1, s30;
	s14 =	ssub.s32 s7, s14  }
0x22: {  	[tilespmem:s10], [sflag:$0x1] =	stream.linear.gather [hbm4b:s17+s5], $0x810, $0x38;
	v2 =	vadd.s32 s14, v0;
	[tilespmem:$0x1100] =	vst v63  }
0x23: {  	s15 =	ssub.s32 s15, s16;
	s17 =	simm.s32 $0x10;
	v3 =	vadd.s32 s31, v2  }
0x24: {  	s18 =	simm.s32 $0x20;
	v1 =	vadd.s32 s15, v0;
	v4 =	vadd.s32 s17, v2;
	vm5 =	vlt.s32 v3, $0x0  }
0x25: {  	s19 =	simm.s32 $0x30;
	v3 =	vadd.s32 s18, v2;
	vm0 =	vlt.s32 v4, $0x0;
	v4 =	vadd.s32 s31, v1  }
0x26: {  	s20 =	simm.s32 $0x40;
	v5 =	vadd.s32 s17, v1;
	vm1 =	vlt.s32 v3, $0x0;
	v3 =	vadd.s32 s19, v2  }
0x27: {  	s21 =	simm.s32 $0x50;
	v6 =	vadd.s32 s18, v1;
	_ =	swait.ge [sflag:s6], $0x810;
	vm2 =	vlt.s32 v3, $0x0;
	v3 =	vadd.s32 s20, v2  }
0x28: {  	s22 =	simm.s32 $0x60;
	v7 =	vadd.s32 s19, v1;
	[sflag:s6] =	ssyncset.done $0x0;
	vm3 =	vlt.s32 v3, $0x0;
	v3 =	vadd.s32 s21, v2  }
0x29: {  	v8 =	vadd.s32 s20, v1;
	[sflag:s6] =	ssyncadd.s32 $0xFFFFF7F0;
	vm8 =	vlt.s32 v3, $0x0;
	v3 =	vadd.s32 s22, v2  }
0x2a: {  	v10 =	vadd.s32 s21, v1;
	v9 =	vadd.s32 s5, v2;
	vm6 =	vlt.s32 v3, $0x0;
	v3 =	vld.idx.msk [tilespmem:v4+s10+$0x0], vm5  }
0x2b: {  	s23 =	simm.s32 $0x90;
	vm7 =	vlt.s32 v9, $0x0;
	v4 =	vld.idx.msk [tilespmem:v5+s10+$0x0], vm0;
	v5 =	vadd.s32 s22, v1  }
0x2c: {  	s24 =	simm.s32 $0xA0;
	s25 =	simm.s32 $0xF0;
	s28 =	simm.s32 $0xC0;
	v12 =	vadd.s32 s23, v1;
	v9 =	vadd.s32 s5, v1;
	v6 =	vld.idx.msk [tilespmem:v6+s10+$0x0], vm1  }
0x2d: {  	s30 =	simm.s32 $0x80;
	v13 =	vadd.s32 s24, v1;
	v16 =	vadd.s32 s28, v1;
	v11 =	vadd.s32 s25, v2;
	v7 =	vld.idx.msk [tilespmem:v7+s10+$0x0], vm2  }
0x2e: {  	v14 =	vadd.s32 s23, v2;
	v15 =	vadd.s32 s24, v2;
	v17 =	vadd.s32 s30, v2;
	v8 =	vld.idx.msk [tilespmem:v8+s10+$0x0], vm3  }
0x2f: {  	s14 =	simm.s32 $0x940;
	vm4 =	vlt.s32 v11, $0x0;
	v11 =	vadd.s32 s25, v1;
	v10 =	vld.idx.msk [tilespmem:v10+s10+$0x0], vm8;
	v3 =	vnsel vm5, $0x0, v3  }
0x30: {  	s26 =	simm.s32 $0xB0;
	vm5 =	vlt.s32 v14, $0x0;
	v5 =	vld.idx.msk [tilespmem:v5+s10+$0x0], vm6;
	v4 =	vnsel vm0, $0x0, v4;
	vm0 =	vlt.s32 v15, $0x0;
	[tilespmem:s14+$0x30] =	vst v3  }
0x31: {  	v15 =	vld.idx.msk [tilespmem:v9+s10+$0x0], vm7;
	v3 =	vadd.s32 s26, v2;
	[tilespmem:s14+$0xFFFFFFD0] =	vst v4;
	v4 =	vnsel vm1, $0x0, v6;
	v6 =	vadd.s32 s26, v1  }
0x32: {  	s29 =	simm.s32 $0xD0;
	vm1 =	vlt.s32 v3, $0x0;
	v3 =	vadd.s32 s28, v2;
	[tilespmem:s14+$0xFFFFFFE0] =	vst v4;
	v4 =	vnsel vm2, $0x0, v7  }
0x33: {  	s31 =	simm.s32 $0xE0;
	vm2 =	vlt.s32 v3, $0x0;
	v3 =	vadd.s32 s29, v2;
	[tilespmem:s14+$0xFFFFFFF0] =	vst v4;
	v4 =	vnsel vm3, $0x0, v8  }
0x34: {  	vm3 =	vlt.s32 v3, $0x0;
	[tilespmem:s14+$0x0] =	vst v4;
	v3 =	vnsel vm8, $0x0, v10;
	v4 =	vadd.s32 s31, v2  }
0x35: {  	v9 =	vld.idx.msk [tilespmem:v11+s10+$0x0], vm4;
	v11 =	vadd.s32 s29, v1;
	[tilespmem:s14+$0x10] =	vst v3;
	v3 =	vnsel vm6, $0x0, v5;
	vm6 =	vlt.s32 v4, $0x0  }
0x36: {  	v14 =	vadd.s32 s31, v1;
	v4 =	vnsel vm7, $0x0, v15;
	vm7 =	vlt.s32 v17, $0x0;
	v8 =	vld.idx.msk [tilespmem:v12+s10+$0x0], vm5  }
0x37: {  	s19 =	simm.s32 $0x120;
	[tilespmem:s14+$0x20] =	vst v3;
	v7 =	vld.idx.msk [tilespmem:v13+s10+$0x0], vm0;
	v12 =	vadd.s32 s30, v1  }
0x38: {  	s15 =	simm.s32 $0x100;
	s18 =	simm.s32 $0x130;
	s20 =	simm.s32 $0x110;
	v5 =	vadd.s32 s19, v1;
	[tilespmem:s14+$0xFFFFFFC0] =	vst v4;
	v10 =	vld.idx.msk [tilespmem:v6+s10+$0x0], vm1  }
0x39: {  	s16 =	simm.s32 $0x180;
	s17 =	simm.s32 $0x140;
	s21 =	simm.s32 $0x170;
	v4 =	vadd.s32 s15, v2;
	v3 =	vadd.s32 s18, v1;
	v6 =	vadd.s32 s20, v1;
	v13 =	vld.idx.msk [tilespmem:v16+s10+$0x0], vm2  }
.LBB2_2:
0x3a: {  	p1 =	slt.u32 s16, $0x780;
	v15 =	vadd.s32 s20, v2;
	v16 =	vadd.s32 s17, v1;
	v17 =	vadd.s32 s21, v2;
	v11 =	vld.idx.msk [tilespmem:v11+s10+$0x0], vm3  }
0x3b: {  	v18 =	vadd.s32 s19, v2;
	v9 =	vnsel vm4, $0x0, v9;
	s14 =	sadd.s32 $0x80, s14;
	v14 =	vld.idx.msk [tilespmem:v14+s10+$0x0], vm6;
	vm4 =	vlt.s32 v17, $0x0  }
0x3c: {  	v17 =	vadd.s32 s21, v1;
	v8 =	vnsel vm5, $0x0, v8;
	vm5 =	vlt.s32 v15, $0x0;
	v12 =	vld.idx.msk [tilespmem:v12+s10+$0x0], vm7;
	[tilespmem:s14+$0x30] =	vst v9  }
0x3d: {  	v9 =	vadd.s32 s18, v2;
	v7 =	vnsel vm0, $0x0, v7;
	vm0 =	vlt.s32 v18, $0x0;
	[tilespmem:s14+$0xFFFFFFD0] =	vst v8  }
0x3e: {  	v8 =	vadd.s32 s17, v2;
	s17 =	sadd.s32 $0x50, s15;
	[tilespmem:s14+$0xFFFFFFE0] =	vst v7;
	v7 =	vnsel vm1, $0x0, v10;
	vm1 =	vlt.s32 v9, $0x0  }
0x3f: {  	s18 =	sadd.s32 $0x60, s15;
	v9 =	vadd.s32 s17, v2;
	[tilespmem:s14+$0xFFFFFFF0] =	vst v7;
	v7 =	vnsel vm2, $0x0, v13;
	vm2 =	vlt.s32 v8, $0x0  }
0x40: {  	v8 =	vadd.s32 s18, v2;
	[tilespmem:s14+$0x0] =	vst v7;
	v7 =	vnsel vm3, $0x0, v11;
	vm3 =	vlt.s32 v9, $0x0  }
.Ltmp0:
0x41: {  	v11 =	vadd.s32 s17, v1;
	v9 =	vld.idx.msk [tilespmem:v17+s10+$0x0], vm4;
	[tilespmem:s14+$0x10] =	vst v7;
	v7 =	vnsel vm6, $0x0, v14;
	vm6 =	vlt.s32 v8, $0x0;
	(pc) =	sbr.rel @p1 .LBB2_2-.Ltmp0, $4  }
0x42: {  	v14 =	vadd.s32 s18, v1;
	v8 =	vld.idx.msk [tilespmem:v6+s10+$0x0], vm5;
	v6 =	vnsel vm7, $0x0, v12;
	vm7 =	vlt.s32 v4, $0x0;
	[tilespmem:s14+$0x20] =	vst v7  }
0x43: {  	v12 =	vadd.s32 s15, v1;
	s15 =	smov.u32 s16;
	v7 =	vld.idx.msk [tilespmem:v5+s10+$0x0], vm0;
	[tilespmem:s14+$0xFFFFFFC0] =	vst v6  }
0x44: {  	s20 =	sadd.s32 $0x10, s16;
	s19 =	sadd.s32 $0x20, s16;
	s18 =	sadd.s32 $0x30, s16;
	v4 =	vadd.s32 s16, v2;
	v10 =	vld.idx.msk [tilespmem:v3+s10+$0x0], vm1  }
0x45: {  	s16 =	sadd.s32 $0x80, s16;
	v6 =	vadd.s32 s20, v1;
	v5 =	vadd.s32 s19, v1;
	s17 =	sadd.s32 $0x40, s15;
	s21 =	sadd.s32 $0x70, s15;
	v3 =	vadd.s32 s18, v1;
	v13 =	vld.idx.msk [tilespmem:v16+s10+$0x0], vm2  }
0x46: {  	_ = 	snop  }
0x47: {  	v15 =	vadd.s32 s21, v2;
	v16 =	vadd.s32 s20, v2;
	v50 =	vadd.s32 s21, v1  }
0x48: {  	s16 =	sadd.s32 $0x50, s15;
	v17 =	vadd.s32 s17, v1;
	s31 =	sadd.s32 $0x60, s15;
	vm15 =	vlt.s32 v4, $0x0;
	vm9 =	vlt.s32 v15, $0x0  }
0x49: {  	v56 =	vadd.s32 s16, v1;
	v59 =	vadd.s32 s31, v1;
	v1 =	vadd.s32 s15, v1  }
0x4a: {  	v49 =	vadd.s32 s19, v2;
	vm8 =	vlt.s32 v16, $0x0  }
0x4b: {  	v9 =	vnsel vm4, $0x0, v9;
	v51 =	vadd.s32 s18, v2;
	v11 =	vld.idx.msk [tilespmem:v11+s10+$0x0], vm3;
	s14 =	sadd.s32 $0x80, s14;
	vm4 =	vlt.s32 v49, $0x0  }
0x4c: {  	v52 =	vadd.s32 s17, v2;
	v14 =	vld.idx.msk [tilespmem:v14+s10+$0x0], vm6;
	v8 =	vnsel vm5, $0x0, v8;
	vm12 =	vlt.s32 v51, $0x0;
	[tilespmem:s14+$0x30] =	vst v9  }
0x4d: {  	v54 =	vld.idx.msk [tilespmem:v12+s10+$0x0], vm7;
	vm10 =	vlt.s32 v52, $0x0;
	v53 =	vadd.s32 s16, v2;
	[tilespmem:s14+$0xFFFFFFD0] =	vst v8;
	v7 =	vnsel vm0, $0x0, v7  }
0x4e: {  	v2 =	vadd.s32 s31, v2;
	vm13 =	vlt.s32 v53, $0x0;
	[tilespmem:s14+$0xFFFFFFE0] =	vst v7;
	v55 =	vnsel vm1, $0x0, v10;
	v1 =	vld.idx.msk [tilespmem:v1+s10+$0x0], vm15  }
0x4f: {  	vm14 =	vlt.s32 v2, $0x0;
	[tilespmem:s14+$0xFFFFFFF0] =	vst v55;
	v57 =	vnsel vm2, $0x0, v13;
	v2 =	vld.idx.msk [tilespmem:v50+s10+$0x0], vm9  }
0x50: {  	v60 =	vnsel vm3, $0x0, v11;
	[tilespmem:s14+$0x0] =	vst v57;
	v58 =	vld.idx.msk [tilespmem:v6+s10+$0x0], vm8  }
0x51: {  	v61 =	vnsel vm6, $0x0, v14;
	[tilespmem:s14+$0x10] =	vst v60;
	v5 =	vld.idx.msk [tilespmem:v5+s10+$0x0], vm4  }
0x52: {  	v8 =	vnsel vm7, $0x0, v54;
	[tilespmem:s14+$0x20] =	vst v61;
	v3 =	vld.idx.msk [tilespmem:v3+s10+$0x0], vm12  }
0x53: {  	[tilespmem:s14+$0xFFFFFFC0] =	vst v8;
	s14 =	sadd.s32 $0x80, s14;
	v62 =	vld.idx.msk [tilespmem:v17+s10+$0x0], vm10;
	v1 =	vnsel vm15, $0x0, v1  }
0x54: {  	v63 =	vld.idx.msk [tilespmem:v56+s10+$0x0], vm13;
	v2 =	vnsel vm9, $0x0, v2;
	[tilespmem:s14+$0xFFFFFFC0] =	vst v1  }
0x55: {  	v6 =	vld.idx.msk [tilespmem:v59+s10+$0x0], vm14;
	v4 =	vnsel vm8, $0x0, v58;
	[tilespmem:s14+$0x30] =	vst v2  }
0x56: {  	[tilespmem:s14+$0xFFFFFFD0] =	vst v4;
	v2 =	vnsel vm4, $0x0, v5  }
0x57: {  	[tilespmem:s14+$0xFFFFFFE0] =	vst v2;
	v2 =	vnsel vm12, $0x0, v3  }
0x58: {  	[tilespmem:s14+$0xFFFFFFF0] =	vst v2;
	v2 =	vnsel vm10, $0x0, v62  }
0x59: {  	s13 =	sadd.s32 $0x1, s13;
	[tilespmem:s14+$0x0] =	vst v2;
	v2 =	vnsel vm13, $0x0, v63  }
0x5a: {  	p1 =	sne.s32 s13, s9;
	[tilespmem:s14+$0x10] =	vst v2;
	v2 =	vnsel vm14, $0x0, v6  }
.Ltmp1:
0x5b: {  	[tilespmem:s14+$0x20] =	vst v2;
	(pc) =	sbr.rel @p1 .LBB2_1-.Ltmp1, $4  }
0x5c: {  	[hbm4b:s8+s10] =	stream.strided.scatter [tilespmem:s12], [sflag:$0x1], $0x800, s11, s10, $0x38;
	[tilespmem:$0x1100] =	vst v63  }
0x5d: {  	_ =	swait.ge [sflag:s6], $0x800  }
0x5e: {  	[sflag:s6] =	ssyncset.done $0x0  }
0x5f: {  	[sflag:s6] =	ssyncadd.s32 $0xFFFFF800  }
0x60: {  	_ =	sfence.sel $0x180000  }
0x61: {  	[bflag:$0x0] =	sbarrier.arrive $0xFFFF  }
0x62: {  	p0 =	sne.s32 s0, $0x0;
	_ =	strace $0x90000047  }
0x63: {  	s0 =	sadd.s32 @!p0 $0x100000, s2;
	[bflag:$0x2] =	sbarrier.arrive $0xFFFF  }
0x64: {  	[sflag:s0] =	ssyncadd.tile.s32 @!p0 $0x1;
	_ =	shalt  }
.Lfunc_end2:
_tile_overlayer_lowered:
.L_overlay_start_2:
0x65: {  	(tag) =	ssettag $0x2  }
0x66: {  	s0 =	rddreg [dreg:$0x0];
	s2 =	stileid.u32  }
0x67: {  	s1 =	rddreg [dreg:$0x1];
	p0 =	sne.s32 s2, $0x0  }
0x68: {  	s3 =	rddreg [dreg:$0x2];
	[bflag:$0x3] =	sbarrier.arrive $0xFFFF;
	s2 =	simm.s32 @!p0 $0x1C01  }
0x69: {  	[timem:s3], [sflag:s2] =	dma.local @!p0 [hbm:s0], s1  }
0x6a: {  	s0 =	simm.s32 @!p0 $0x1  }
0x6b: {  	_ =	swait.ge @!p0 [sflag:s0], s1  }
0x6c: {  	s1 =	ssub.s32 @!p0 $0x0, s1;
	[sflag:s0] =	ssyncset.done @!p0 $0x0  }
0x6d: {  	[sflag:s0] =	ssyncadd.s32 @!p0 s1  }
0x6e: {  	[bflag:$0x3] =	sbarrier.arrive $0xFFFF  }
0x6f: {  	_ =	shalt  }

</sc_bundles>
